<compile_context>
chip_gen: v7x
topology: tpu7x:2x2x1
jax: 0.10.2.dev20260603
libtpu: 0.0.44.dev20260713+nightly
codegen_flags: <defaults>
</compile_context>

<pallas_src>
import jax
import jax.numpy as jnp
from jax import lax
from jax.experimental import pallas as pl
from jax.experimental.pallas import tpu as pltpu
from jax.experimental.pallas import tpu_sc as plsc

_B = 16
_T = 16
_A = 3
_H = 80
_W = 80
_C = 18
_CELLS = _H * _W
_PRED_STRIDE = _C * _CELLS
_TOTAL_CONF = float(_B * _A * _CELLS)

_LAMBDA_COORD = 5.0
_LAMBDA_OBJ = 1.0
_LAMBDA_NOOBJ = 0.5

_NC, _NS = 2, 16


def _sc_gather_body(pred_hbm, tgt_hbm, g_hbm, tgt_v, rows_v, vals_v, sem):
    b = lax.axis_index("s")
    half = lax.axis_index("c")
    img = pltpu.make_async_copy(pred_hbm.at[pl.ds(b * _C + half * 2, 3)],
                                rows_v, sem)
    img.start()
    pltpu.sync_copy(tgt_hbm.at[pl.ds(b * _T, _T)], tgt_v)
    t_ids = lax.iota(jnp.int32, 16)
    two = jnp.zeros((16,), jnp.int32) + 2
    cx = plsc.load_gather(tgt_v, [t_ids, two])
    cy = plsc.load_gather(tgt_v, [t_ids, two + 1])
    gx = jnp.minimum(jnp.maximum(cx * float(_W), 0.0), float(_W - 1))
    gy = jnp.minimum(jnp.maximum(cy * float(_H), 0.0), float(_H - 1))
    gi = gx.astype(jnp.int32)
    gj = gy.astype(jnp.int32)
    img.wait()
    zero = jnp.zeros((16,), jnp.int32)

    @pl.when(half == 0)
    def _():
        for ch in range(2):
            vals_v[pl.ds(ch * 16, 16)] = plsc.load_gather(
                rows_v, [zero + ch, gj, gi])
        row = pl.multiple_of(b * 80, 8)
        pltpu.sync_copy(vals_v.at[pl.ds(0, 32)], g_hbm.at[pl.ds(row, 32)])

    @pl.when(half == 1)
    def _():
        for ch in range(3):
            vals_v[pl.ds(ch * 16, 16)] = plsc.load_gather(
                rows_v, [zero + ch, gj, gi])
        row = pl.multiple_of(b * 80 + 32, 8)
        pltpu.sync_copy(vals_v.at[pl.ds(0, 48)], g_hbm.at[pl.ds(row, 48)])


def _sc_gather(pred_flat, tgt_flat):
    f32 = jnp.float32
    mesh = plsc.VectorSubcoreMesh(core_axis_name="c", subcore_axis_name="s",
                                  num_cores=_NC, num_subcores=_NS)
    call = pl.kernel(
        _sc_gather_body,
        out_type=jax.ShapeDtypeStruct((_B * 80,), f32),
        mesh=mesh,
        compiler_params=pltpu.CompilerParams(needs_layout_passes=False),
        scratch_types=[
            pltpu.VMEM((_T, 6), f32),
            pltpu.VMEM((3, _H, _W), f32),
            pltpu.VMEM((48,), f32),
            pltpu.SemaphoreType.DMA,
        ],
    )
    return call(pred_flat, tgt_flat)


def _tc_dense_body(c0_ref, c1_ref, c2_ref, out_ref):
    dense = 0.0
    for cref in (c0_ref, c1_ref, c2_ref):
        p = jax.nn.sigmoid(cref[:, 0, :, :])
        dense += jnp.sum(-jnp.log(1.0 - p))
    out_ref[...] = jnp.reshape(dense, (1, 1))


def _conf_spec(a):
    return pl.BlockSpec((_B, 1, _H, _W), lambda j, _a=a: (0, 6 * _a + 4, 0, 0))


def _tc_dense(pred4):
    return pl.pallas_call(
        _tc_dense_body,
        grid=(1,),
        in_specs=[_conf_spec(0), _conf_spec(1), _conf_spec(2)],
        out_specs=pl.BlockSpec((1, 1), lambda j: (0, 0)),
        out_shape=jax.ShapeDtypeStruct((1, 1), jnp.float32),
    )(pred4, pred4, pred4)


def _tc_combine_body(dense_ref, tgt_ref, g_ref, out_ref):
    g3 = g_ref[...]
    cx = tgt_ref[:, :, 2]
    cy = tgt_ref[:, :, 3]
    w = tgt_ref[:, :, 4]
    h = tgt_ref[:, :, 5]
    gx = cx * float(_W)
    gy = cy * float(_H)
    gi = jnp.minimum(jnp.maximum(gx, 0.0), float(_W - 1)).astype(jnp.int32)
    gj = jnp.minimum(jnp.maximum(gy, 0.0), float(_H - 1)).astype(jnp.int32)
    cell = gj * _W + gi
    c_i = cell[:, :, None]
    c_j = cell[:, None, :]
    ii = lax.broadcasted_iota(jnp.int32, (_B, _T, _T), 1)
    jj = lax.broadcasted_iota(jnp.int32, (_B, _T, _T), 2)
    killed = jnp.any((c_i == c_j) & (jj > ii), axis=2)
    keep = jnp.logical_not(killed).astype(jnp.float32)
    num_obj = jnp.sum(keep)

    tx = gx - gi.astype(jnp.float32)
    ty = gy - gj.astype(jnp.float32)
    px = jax.nn.sigmoid(g3[:, 0, :])
    py = jax.nn.sigmoid(g3[:, 1, :])
    xy_sum = jnp.sum(keep * ((px - tx) ** 2 + (py - ty) ** 2))
    wh_sum = jnp.sum(keep * ((g3[:, 2, :] - w) ** 2
                             + (g3[:, 3, :] - h) ** 2))
    pc = jax.nn.sigmoid(g3[:, 4, :])
    obj_sum = jnp.sum(keep * (-jnp.log(pc)))
    corr = jnp.sum(keep * (-jnp.log(1.0 - pc)))

    xy_loss = xy_sum / num_obj
    wh_loss = wh_sum / num_obj
    obj_loss = obj_sum / num_obj
    noobj_loss = (dense_ref[0, 0] - corr) / (_TOTAL_CONF - num_obj)
    total = (_LAMBDA_COORD * (xy_loss + wh_loss)
             + _LAMBDA_OBJ * obj_loss
             + _LAMBDA_NOOBJ * noobj_loss)
    out_ref[...] = jnp.reshape(total, (1, 1))


def _tc_combine(dense, targets, g2):
    return pl.pallas_call(
        _tc_combine_body,
        grid=(1,),
        in_specs=[
            pl.BlockSpec((1, 1), lambda j: (0, 0)),
            pl.BlockSpec((_B, _T, 6), lambda j: (0, 0, 0)),
            pl.BlockSpec((_B, 5, _T), lambda j: (0, 0, 0)),
        ],
        out_specs=pl.BlockSpec((1, 1), lambda j: (0, 0)),
        out_shape=jax.ShapeDtypeStruct((1, 1), jnp.float32),
    )(dense, targets, g2)


def kernel(predictions, targets):
    pred4 = predictions[0]
    pred3d = predictions.reshape(_B * _C, _H, _W)
    tgt2d = targets.reshape(_B * _T, 6)
    g3 = _sc_gather(pred3d, tgt2d).reshape(_B, 5, _T)
    dense = _tc_dense(pred4)
    out = _tc_combine(dense, targets, g3)
    return out[0, 0]

# --- scband reference (transcript-rebuilt; emitter-appended) ---
"""Pipeline reference for scband-improved-yololoss-36936718746136 (READ-ONLY COPY).

The authoritative reference and input builder live on the scoring server;
editing this copy changes nothing except your own understanding.
"""

import jax, jax.numpy as jnp
import numpy as np

LAMBDA_COORD = 5.0
LAMBDA_OBJ = 1.0
LAMBDA_NOOBJ = 0.5


def setup_inputs(seed: int = 0) -> dict:
    key = jax.random.key(seed)
    k1, k2 = jax.random.split(key)
    # predictions is a list in torch; emulate with leading axis of size 1 so predictions[0] is [B, 18, H, W]
    predictions = jax.random.normal(k1, (1, 16, 18, 80, 80), dtype=jnp.float32)
    # targets[b] is a list of T targets, each (cls, ?, cx, cy, w, h) with normalized coords in [0, 1)
    targets = jax.random.uniform(k2, (16, 16, 6), dtype=jnp.float32)
    return {"predictions": predictions, "targets": targets}


def _bce(p, t):
    return -(t * jnp.log(p) + (1.0 - t) * jnp.log(1.0 - p))


def reference(predictions, targets):
    pred = predictions[0]
    B, C, H, W = pred.shape
    pred = pred.reshape(B, 3, 6, H, W).transpose(0, 1, 3, 4, 2)
    pred_xy = jax.nn.sigmoid(pred[..., 0:2])
    pred_wh = pred[..., 2:4]
    pred_conf = jax.nn.sigmoid(pred[..., 4])

    T = targets.shape[1]
    rows = targets.reshape(-1, 6)
    b_idx = jnp.repeat(jnp.arange(B), T)
    cx, cy, w, h = rows[:, 2], rows[:, 3], rows[:, 4], rows[:, 5]
    gx = cx * W
    gy = cy * H
    gi = jax.lax.stop_gradient(jnp.floor(jnp.clip(gx, 0, W - 1))).astype(jnp.int32)
    gj = jax.lax.stop_gradient(jnp.floor(jnp.clip(gy, 0, H - 1))).astype(jnp.int32)

    obj_mask = jnp.zeros((B, 3, H, W), dtype=bool).at[b_idx, 0, gj, gi].set(True)
    noobj_mask = jnp.ones((B, 3, H, W), dtype=bool).at[b_idx, 0, gj, gi].set(False)
    target_xy = jnp.zeros((B, 3, H, W, 2), dtype=jnp.float32)
    target_xy = target_xy.at[b_idx, 0, gj, gi, 0].set(gx - gi)
    target_xy = target_xy.at[b_idx, 0, gj, gi, 1].set(gy - gj)
    target_wh = jnp.zeros((B, 3, H, W, 2), dtype=jnp.float32)
    target_wh = target_wh.at[b_idx, 0, gj, gi, 0].set(w)
    target_wh = target_wh.at[b_idx, 0, gj, gi, 1].set(h)
    target_conf = jnp.zeros((B, 3, H, W), dtype=jnp.float32).at[b_idx, 0, gj, gi].set(1.0)

    num_obj = obj_mask.sum().astype(jnp.float32)
    num_noobj = noobj_mask.sum().astype(jnp.float32)
    objm = obj_mask.astype(jnp.float32)
    noobjm = noobj_mask.astype(jnp.float32)

    xy_loss = jnp.sum(((pred_xy - target_xy) ** 2) * objm[..., None]) / num_obj
    wh_loss = jnp.sum(((pred_wh - target_wh) ** 2) * objm[..., None]) / num_obj
    coord_loss = xy_loss + wh_loss
    obj_loss = jnp.sum(_bce(pred_conf, target_conf) * objm) / num_obj
    noobj_loss = jnp.sum(_bce(pred_conf, target_conf) * noobjm) / num_noobj

    total_loss = LAMBDA_COORD * coord_loss + LAMBDA_OBJ * obj_loss + LAMBDA_NOOBJ * noobj_loss
    return total_loss

if __name__ == "__main__":
    import jax
    _d = setup_inputs()
    print(jax.jit(kernel)(*tuple(_d.values())))

</pallas_src>

<mosaic_0001>
#map = affine_map<(d0, d1) -> (0, 0, 0)>
#map1 = affine_map<(d0, d1) -> (0, 0)>
#map2 = affine_map<(d0, d1) -> (0)>
module attributes {stable_mosaic.version = 14 : i64} {
  func.func @_sc_gather_body(%arg0: i32, %arg1: i32, %arg2: memref<288x80x80xf32, #tpu.memory_space<hbm>>, %arg3: memref<256x6xf32, #tpu.memory_space<hbm>>, %arg4: memref<1280xf32, #tpu.memory_space<hbm>>, %arg5: memref<16x6xf32, #tpu.memory_space<vmem>>, %arg6: memref<3x80x80xf32, #tpu.memory_space<vmem>>, %arg7: memref<48xf32, #tpu.memory_space<vmem>>, %arg8: memref<!tpu.dma_semaphore, #tpu.memory_space<semaphore_mem>>) attributes {dimension_semantics = [#tpu.dimension_semantics<core_parallel>, #tpu.dimension_semantics<subcore_parallel>], iteration_bounds = array<i64: 2, 16>, scalar_prefetch = 0 : i64, scratch_operands = 4 : i64, tpu.core_type = #tpu.core_type<sc_vector_subcore>, window_params = [{transform_indices = #map}, {transform_indices = #map1}, {transform_indices = #map2}]} {
    %mul3A = arith.constant 18 : i32
    %mul3A_0 = arith.muli %arg1, %mul3A : i32
    %mul3A_1 = arith.constant 2 : i32
    %mul3A_2 = arith.muli %arg0, %mul3A_1 : i32
    %add3A = arith.addi %mul3A_0, %mul3A_2 : i32
    %dma_start3A = arith.constant 0 : i32
    %dma_start3A_3 = arith.constant 0 : i32
    %dma_start3A_4 = tpu.memref_slice %arg2[%add3A, %dma_start3A, %dma_start3A_3] : memref<288x80x80xf32, #tpu.memory_space<hbm>> -> memref<3x80x80xf32, #tpu.memory_space<hbm>>
    %dma_start3A_5 = arith.constant 0 : i32
    %dma_start3A_6 = arith.constant 0 : i32
    %dma_start3A_7 = tpu.memref_slice %arg2[%add3A, %dma_start3A_5, %dma_start3A_6] : memref<288x80x80xf32, #tpu.memory_space<hbm>> -> memref<3x80x80xf32, #tpu.memory_space<hbm>>
    tpu.enqueue_dma source(%dma_start3A_7 : memref<3x80x80xf32, #tpu.memory_space<hbm>>) target(%arg6 : memref<3x80x80xf32, #tpu.memory_space<vmem>>) target_semaphore(%arg8 : memref<!tpu.dma_semaphore, #tpu.memory_space<semaphore_mem>>)
    %mul3A_8 = arith.constant 16 : i32
    %mul3A_9 = arith.muli %arg1, %mul3A_8 : i32
    "tpu.region"() ({
      %run_scoped3A = tpu.sem_alloc : memref<!tpu.dma_semaphore, #tpu.memory_space<semaphore_mem>>
      %dma_start3A_50 = arith.constant 0 : i32
      %dma_start3A_51 = tpu.memref_slice %arg3[%mul3A_9, %dma_start3A_50] : memref<256x6xf32, #tpu.memory_space<hbm>> -> memref<16x6xf32, #tpu.memory_space<hbm>>
      %dma_start3A_52 = arith.constant 0 : i32
      %dma_start3A_53 = tpu.memref_slice %arg3[%mul3A_9, %dma_start3A_52] : memref<256x6xf32, #tpu.memory_space<hbm>> -> memref<16x6xf32, #tpu.memory_space<hbm>>
      tpu.enqueue_dma source(%dma_start3A_53 : memref<16x6xf32, #tpu.memory_space<hbm>>) target(%arg5 : memref<16x6xf32, #tpu.memory_space<vmem>>) target_semaphore(%run_scoped3A : memref<!tpu.dma_semaphore, #tpu.memory_space<semaphore_mem>>)
      %dma_wait3A_54 = arith.constant 0 : i32
      %dma_wait3A_55 = tpu.memref_slice %arg3[%mul3A_9, %dma_wait3A_54] : memref<256x6xf32, #tpu.memory_space<hbm>> -> memref<16x6xf32, #tpu.memory_space<hbm>>
      %dma_wait3A_56 = arith.constant 0 : i32
      %dma_wait3A_57 = tpu.memref_slice %arg3[%mul3A_9, %dma_wait3A_56] : memref<256x6xf32, #tpu.memory_space<hbm>> -> memref<16x6xf32, #tpu.memory_space<hbm>>
      tpu.wait_dma2 semaphore(%run_scoped3A : memref<!tpu.dma_semaphore, #tpu.memory_space<semaphore_mem>>) src(%dma_wait3A_57 : memref<16x6xf32, #tpu.memory_space<hbm>>) dst(%arg5 : memref<16x6xf32, #tpu.memory_space<vmem>>)
      tpu.yield
    }) : () -> ()
    %iota3A = tpu.iota {dimensions = array<i32: 0>} : vector<16xi32>
    %broadcast_in_dim3A = arith.constant 0 : i32
    %broadcast_in_dim3A_10 = vector.broadcast %broadcast_in_dim3A : i32 to vector<16xi32>
    %add3A_11 = arith.constant 2 : i32
    %add3A_12 = vector.broadcast %add3A_11 : i32 to vector<16xi32>
    %add3A_13 = arith.addi %broadcast_in_dim3A_10, %add3A_12 : vector<16xi32>
    %gather3A = tpu.vector_load_idx %arg5[%iota3A, %add3A_13] : memref<16x6xf32, #tpu.memory_space<vmem>>[vector<16xi32>, vector<16xi32>], vector<16xf32>,
    %add3A_14 = arith.constant 1 : i32
    %add3A_15 = vector.broadcast %add3A_14 : i32 to vector<16xi32>
    %add3A_16 = arith.addi %add3A_13, %add3A_15 : vector<16xi32>
    %gather3A_17 = tpu.vector_load_idx %arg5[%iota3A, %add3A_16] : memref<16x6xf32, #tpu.memory_space<vmem>>[vector<16xi32>, vector<16xi32>], vector<16xf32>,
    %mul3A_18 = arith.constant 8.000000e+01 : f32
    %mul3A_19 = vector.broadcast %mul3A_18 : f32 to vector<16xf32>
    %mul3A_20 = arith.mulf %gather3A, %mul3A_19 : vector<16xf32>
    %max3A = arith.constant 0.000000e+00 : f32
    %max3A_21 = vector.broadcast %max3A : f32 to vector<16xf32>
    %max3A_22 = arith.maximumf %mul3A_20, %max3A_21 : vector<16xf32>
    %min3A = arith.constant 7.900000e+01 : f32
    %min3A_23 = vector.broadcast %min3A : f32 to vector<16xf32>
    %min3A_24 = arith.minimumf %max3A_22, %min3A_23 : vector<16xf32>
    %mul3A_25 = arith.constant 8.000000e+01 : f32
    %mul3A_26 = vector.broadcast %mul3A_25 : f32 to vector<16xf32>
    %mul3A_27 = arith.mulf %gather3A_17, %mul3A_26 : vector<16xf32>
    %max3A_28 = arith.constant 0.000000e+00 : f32
    %max3A_29 = vector.broadcast %max3A_28 : f32 to vector<16xf32>
    %max3A_30 = arith.maximumf %mul3A_27, %max3A_29 : vector<16xf32>
    %min3A_31 = arith.constant 7.900000e+01 : f32
    %min3A_32 = vector.broadcast %min3A_31 : f32 to vector<16xf32>
    %min3A_33 = arith.minimumf %max3A_30, %min3A_32 : vector<16xf32>
    %convert_element_type3A = arith.fptosi %min3A_24 : vector<16xf32> to vector<16xi32>
    %convert_element_type3A_34 = arith.fptosi %min3A_33 : vector<16xf32> to vector<16xi32>
    %dma_wait3A = arith.constant 0 : i32
    %dma_wait3A_35 = arith.constant 0 : i32
    %dma_wait3A_36 = tpu.memref_slice %arg2[%add3A, %dma_wait3A, %dma_wait3A_35] : memref<288x80x80xf32, #tpu.memory_space<hbm>> -> memref<3x80x80xf32, #tpu.memory_space<hbm>>
    %dma_wait3A_37 = arith.constant 0 : i32
    %dma_wait3A_38 = arith.constant 0 : i32
    %dma_wait3A_39 = tpu.memref_slice %arg2[%add3A, %dma_wait3A_37, %dma_wait3A_38] : memref<288x80x80xf32, #tpu.memory_space<hbm>> -> memref<3x80x80xf32, #tpu.memory_space<hbm>>
    tpu.wait_dma2 semaphore(%arg8 : memref<!tpu.dma_semaphore, #tpu.memory_space<semaphore_mem>>) src(%dma_wait3A_39 : memref<3x80x80xf32, #tpu.memory_space<hbm>>) dst(%arg6 : memref<3x80x80xf32, #tpu.memory_space<vmem>>)
    %broadcast_in_dim3A_40 = arith.constant 0 : i32
    %broadcast_in_dim3A_41 = vector.broadcast %broadcast_in_dim3A_40 : i32 to vector<16xi32>
    %eq3A = arith.constant 0 : i32
    %eq3A_42 = arith.cmpi eq, %arg0, %eq3A : i32
    %convert_element_type3A_43 = arith.extui %eq3A_42 : i1 to i32
    %cond3A = arith.constant 0 : i32
    %cond3A_44 = arith.cmpi ne, %convert_element_type3A_43, %cond3A : i32
    scf.if %cond3A_44 {
      %add3A_50 = arith.constant 0 : i32
      %add3A_51 = vector.broadcast %add3A_50 : i32 to vector<16xi32>
      %add3A_52 = arith.addi %broadcast_in_dim3A_41, %add3A_51 : vector<16xi32>
      %gather3A_53 = tpu.vector_load_idx %arg6[%add3A_52, %convert_element_type3A_34, %convert_element_type3A] : memref<3x80x80xf32, #tpu.memory_space<vmem>>[vector<16xi32>, vector<16xi32>, vector<16xi32>], vector<16xf32>,
      %swap3A = arith.constant 0 : index
      %swap3A_54 = tpu.vector_load %arg7[%swap3A] {strides = array<i32>} : memref<48xf32, #tpu.memory_space<vmem>>, vector<16xf32>,
      tpu.vector_store %arg7[%swap3A], %gather3A_53 {strides = array<i32>} : memref<48xf32, #tpu.memory_space<vmem>>, vector<16xf32>,
      %add3A_55 = arith.constant 1 : i32
      %add3A_56 = vector.broadcast %add3A_55 : i32 to vector<16xi32>
      %add3A_57 = arith.addi %broadcast_in_dim3A_41, %add3A_56 : vector<16xi32>
      %gather3A_58 = tpu.vector_load_idx %arg6[%add3A_57, %convert_element_type3A_34, %convert_element_type3A] : memref<3x80x80xf32, #tpu.memory_space<vmem>>[vector<16xi32>, vector<16xi32>, vector<16xi32>], vector<16xf32>,
      %swap3A_59 = arith.constant 16 : index
      %swap3A_60 = tpu.vector_load %arg7[%swap3A_59] {strides = array<i32>} : memref<48xf32, #tpu.memory_space<vmem>>, vector<16xf32>,
      tpu.vector_store %arg7[%swap3A_59], %gather3A_58 {strides = array<i32>} : memref<48xf32, #tpu.memory_space<vmem>>, vector<16xf32>,
      %mul3A_61 = arith.constant 80 : i32
      %mul3A_62 = arith.muli %arg1, %mul3A_61 : i32
      %multiple_of3A = tpu.assume_multiple %mul3A_62, 8 : i32
      "tpu.region"() ({
        %run_scoped3A = tpu.sem_alloc : memref<!tpu.dma_semaphore, #tpu.memory_space<semaphore_mem>>
        %dma_start3A_63 = arith.constant 0 : i32
        %dma_start3A_64 = tpu.memref_slice %arg7[%dma_start3A_63] : memref<48xf32, #tpu.memory_space<vmem>> -> memref<32xf32, #tpu.memory_space<vmem>>
        %dma_start3A_65 = tpu.memref_slice %arg4[%multiple_of3A] : memref<1280xf32, #tpu.memory_space<hbm>> -> memref<32xf32, #tpu.memory_space<hbm>>
        %dma_start3A_66 = tpu.memref_slice %arg4[%multiple_of3A] : memref<1280xf32, #tpu.memory_space<hbm>> -> memref<32xf32, #tpu.memory_space<hbm>>
        %dma_start3A_67 = arith.constant 0 : i32
        %dma_start3A_68 = tpu.memref_slice %arg7[%dma_start3A_67] : memref<48xf32, #tpu.memory_space<vmem>> -> memref<32xf32, #tpu.memory_space<vmem>>
        tpu.enqueue_dma source(%dma_start3A_68 : memref<32xf32, #tpu.memory_space<vmem>>) target(%dma_start3A_66 : memref<32xf32, #tpu.memory_space<hbm>>) target_semaphore(%run_scoped3A : memref<!tpu.dma_semaphore, #tpu.memory_space<semaphore_mem>>)
        %dma_wait3A_69 = arith.constant 0 : i32
        %dma_wait3A_70 = tpu.memref_slice %arg7[%dma_wait3A_69] : memref<48xf32, #tpu.memory_space<vmem>> -> memref<32xf32, #tpu.memory_space<vmem>>
        %dma_wait3A_71 = tpu.memref_slice %arg4[%multiple_of3A] : memref<1280xf32, #tpu.memory_space<hbm>> -> memref<32xf32, #tpu.memory_space<hbm>>
        %dma_wait3A_72 = tpu.memref_slice %arg4[%multiple_of3A] : memref<1280xf32, #tpu.memory_space<hbm>> -> memref<32xf32, #tpu.memory_space<hbm>>
        %dma_wait3A_73 = arith.constant 0 : i32
        %dma_wait3A_74 = tpu.memref_slice %arg7[%dma_wait3A_73] : memref<48xf32, #tpu.memory_space<vmem>> -> memref<32xf32, #tpu.memory_space<vmem>>
        tpu.wait_dma2 semaphore(%run_scoped3A : memref<!tpu.dma_semaphore, #tpu.memory_space<semaphore_mem>>) src(%dma_wait3A_74 : memref<32xf32, #tpu.memory_space<vmem>>) dst(%dma_wait3A_72 : memref<32xf32, #tpu.memory_space<hbm>>)
        tpu.yield
      }) : () -> ()
    } else {
    }
    %eq3A_45 = arith.constant 1 : i32
    %eq3A_46 = arith.cmpi eq, %arg0, %eq3A_45 : i32
    %convert_element_type3A_47 = arith.extui %eq3A_46 : i1 to i32
    %cond3A_48 = arith.constant 0 : i32
    %cond3A_49 = arith.cmpi ne, %convert_element_type3A_47, %cond3A_48 : i32
    scf.if %cond3A_49 {
      %add3A_50 = arith.constant 0 : i32
      %add3A_51 = vector.broadcast %add3A_50 : i32 to vector<16xi32>
      %add3A_52 = arith.addi %broadcast_in_dim3A_41, %add3A_51 : vector<16xi32>
      %gather3A_53 = tpu.vector_load_idx %arg6[%add3A_52, %convert_element_type3A_34, %convert_element_type3A] : memref<3x80x80xf32, #tpu.memory_space<vmem>>[vector<16xi32>, vector<16xi32>, vector<16xi32>], vector<16xf32>,
      %swap3A = arith.constant 0 : index
      %swap3A_54 = tpu.vector_load %arg7[%swap3A] {strides = array<i32>} : memref<48xf32, #tpu.memory_space<vmem>>, vector<16xf32>,
      tpu.vector_store %arg7[%swap3A], %gather3A_53 {strides = array<i32>} : memref<48xf32, #tpu.memory_space<vmem>>, vector<16xf32>,
      %add3A_55 = arith.constant 1 : i32
      %add3A_56 = vector.broadcast %add3A_55 : i32 to vector<16xi32>
      %add3A_57 = arith.addi %broadcast_in_dim3A_41, %add3A_56 : vector<16xi32>
      %gather3A_58 = tpu.vector_load_idx %arg6[%add3A_57, %convert_element_type3A_34, %convert_element_type3A] : memref<3x80x80xf32, #tpu.memory_space<vmem>>[vector<16xi32>, vector<16xi32>, vector<16xi32>], vector<16xf32>,
      %swap3A_59 = arith.constant 16 : index
      %swap3A_60 = tpu.vector_load %arg7[%swap3A_59] {strides = array<i32>} : memref<48xf32, #tpu.memory_space<vmem>>, vector<16xf32>,
      tpu.vector_store %arg7[%swap3A_59], %gather3A_58 {strides = array<i32>} : memref<48xf32, #tpu.memory_space<vmem>>, vector<16xf32>,
      %add3A_61 = arith.constant 2 : i32
      %add3A_62 = vector.broadcast %add3A_61 : i32 to vector<16xi32>
      %add3A_63 = arith.addi %broadcast_in_dim3A_41, %add3A_62 : vector<16xi32>
      %gather3A_64 = tpu.vector_load_idx %arg6[%add3A_63, %convert_element_type3A_34, %convert_element_type3A] : memref<3x80x80xf32, #tpu.memory_space<vmem>>[vector<16xi32>, vector<16xi32>, vector<16xi32>], vector<16xf32>,
      %swap3A_65 = arith.constant 32 : index
      %swap3A_66 = tpu.vector_load %arg7[%swap3A_65] {strides = array<i32>} : memref<48xf32, #tpu.memory_space<vmem>>, vector<16xf32>,
      tpu.vector_store %arg7[%swap3A_65], %gather3A_64 {strides = array<i32>} : memref<48xf32, #tpu.memory_space<vmem>>, vector<16xf32>,
      %mul3A_67 = arith.constant 80 : i32
      %mul3A_68 = arith.muli %arg1, %mul3A_67 : i32
      %add3A_69 = arith.constant 32 : i32
      %add3A_70 = arith.addi %mul3A_68, %add3A_69 : i32
      %multiple_of3A = tpu.assume_multiple %add3A_70, 8 : i32
      "tpu.region"() ({
        %run_scoped3A = tpu.sem_alloc : memref<!tpu.dma_semaphore, #tpu.memory_space<semaphore_mem>>
        %dma_start3A_71 = arith.constant 0 : i32
        %dma_start3A_72 = tpu.memref_slice %arg7[%dma_start3A_71] : memref<48xf32, #tpu.memory_space<vmem>> -> memref<48xf32, #tpu.memory_space<vmem>>
        %dma_start3A_73 = tpu.memref_slice %arg4[%multiple_of3A] : memref<1280xf32, #tpu.memory_space<hbm>> -> memref<48xf32, #tpu.memory_space<hbm>>
        %dma_start3A_74 = tpu.memref_slice %arg4[%multiple_of3A] : memref<1280xf32, #tpu.memory_space<hbm>> -> memref<48xf32, #tpu.memory_space<hbm>>
        %dma_start3A_75 = arith.constant 0 : i32
        %dma_start3A_76 = tpu.memref_slice %arg7[%dma_start3A_75] : memref<48xf32, #tpu.memory_space<vmem>> -> memref<48xf32, #tpu.memory_space<vmem>>
        tpu.enqueue_dma source(%dma_start3A_76 : memref<48xf32, #tpu.memory_space<vmem>>) target(%dma_start3A_74 : memref<48xf32, #tpu.memory_space<hbm>>) target_semaphore(%run_scoped3A : memref<!tpu.dma_semaphore, #tpu.memory_space<semaphore_mem>>)
        %dma_wait3A_77 = arith.constant 0 : i32
        %dma_wait3A_78 = tpu.memref_slice %arg7[%dma_wait3A_77] : memref<48xf32, #tpu.memory_space<vmem>> -> memref<48xf32, #tpu.memory_space<vmem>>
        %dma_wait3A_79 = tpu.memref_slice %arg4[%multiple_of3A] : memref<1280xf32, #tpu.memory_space<hbm>> -> memref<48xf32, #tpu.memory_space<hbm>>
        %dma_wait3A_80 = tpu.memref_slice %arg4[%multiple_of3A] : memref<1280xf32, #tpu.memory_space<hbm>> -> memref<48xf32, #tpu.memory_space<hbm>>
        %dma_wait3A_81 = arith.constant 0 : i32
        %dma_wait3A_82 = tpu.memref_slice %arg7[%dma_wait3A_81] : memref<48xf32, #tpu.memory_space<vmem>> -> memref<48xf32, #tpu.memory_space<vmem>>
        tpu.wait_dma2 semaphore(%run_scoped3A : memref<!tpu.dma_semaphore, #tpu.memory_space<semaphore_mem>>) src(%dma_wait3A_82 : memref<48xf32, #tpu.memory_space<vmem>>) dst(%dma_wait3A_80 : memref<48xf32, #tpu.memory_space<hbm>>)
        tpu.yield
      }) : () -> ()
    } else {
    }
    return
  }
}

module attributes {stable_mosaic.version = 14 : i64} {
  func.func @_tc_dense_body(%arg0: i32, %arg1: memref<16x1x80x80xf32, #tpu.memory_space<vmem>>, %arg2: memref<16x1x80x80xf32, #tpu.memory_space<vmem>>, %arg3: memref<16x1x80x80xf32, #tpu.memory_space<vmem>>, %arg4: memref<1x1xf32, #tpu.memory_space<vmem>>) attributes {dimension_semantics = [#tpu.dimension_semantics<arbitrary>], iteration_bounds = array<i64: 1>, scalar_prefetch = 0 : i64, scratch_operands = 0 : i64, tpu.core_type = #tpu.core_type<tc>, window_params = [{transform_indices = @transform_0, window_bounds = array<i64: 16, 1, 80, 80>}, {transform_indices = @transform_1, window_bounds = array<i64: 16, 1, 80, 80>}, {transform_indices = @transform_2, window_bounds = array<i64: 16, 1, 80, 80>}, {pipeline_mode = #tpu.pipeline_mode<synchronous>, transform_indices = @transform_3, window_bounds = array<i64: 1, 1>}]} {
    %get3A = arith.constant 0 : index
    %get3A_0 = arith.constant 0 : index
    %get3A_1 = arith.constant 0 : index
    %get3A_2 = arith.constant 0 : index
    %get3A_3 = vector.load %arg1[%get3A, %get3A_0, %get3A_1, %get3A_2] : memref<16x1x80x80xf32, #tpu.memory_space<vmem>>, vector<16x1x80x80xf32>
    %get3A_4 = vector.shape_cast %get3A_3 : vector<16x1x80x80xf32> to vector<16x80x80xf32>
    %logistic3A = arith.negf %get3A_4 : vector<16x80x80xf32>
    %logistic3A_5 = math.exp %logistic3A : vector<16x80x80xf32>
    %logistic3A_6 = arith.constant 1.000000e+00 : f32
    %logistic3A_7 = vector.broadcast %logistic3A_6 : f32 to vector<16x80x80xf32>
    %logistic3A_8 = arith.addf %logistic3A_7, %logistic3A_5 : vector<16x80x80xf32>
    %logistic3A_9 = arith.divf %logistic3A_7, %logistic3A_8 : vector<16x80x80xf32>
    %sub3A = arith.constant 1.000000e+00 : f32
    %sub3A_10 = vector.broadcast %sub3A : f32 to vector<16x80x80xf32>
    %sub3A_11 = arith.subf %sub3A_10, %logistic3A_9 : vector<16x80x80xf32>
    %log3A = math.log %sub3A_11 : vector<16x80x80xf32>
    %neg3A = arith.constant 0.000000e+00 : f32
    %neg3A_12 = vector.broadcast %neg3A : f32 to vector<16x80x80xf32>
    %neg3A_13 = arith.subf %neg3A_12, %log3A : vector<16x80x80xf32>
    %reduce_sum3A = vector.shape_cast %neg3A_13 : vector<16x80x80xf32> to vector<1x16x80x80xf32>
    %reduce_sum3A_14 = arith.constant dense<0.000000e+00> : vector<1xf32>
    %reduce_sum3A_15 = vector.multi_reduction <add>, %reduce_sum3A, %reduce_sum3A_14 [1, 2, 3] : vector<1x16x80x80xf32> to vector<1xf32>
    %reduce_sum3A_16 = vector.shape_cast %reduce_sum3A_15 : vector<1xf32> to vector<1x1x1x1xf32>
    %reduce_sum3A_17 = vector.extract %reduce_sum3A_16[0, 0, 0, 0] : f32 from vector<1x1x1x1xf32>
    %add3A = arith.constant 0.000000e+00 : f32
    %add3A_18 = arith.addf %add3A, %reduce_sum3A_17 : f32
    %get3A_19 = arith.constant 0 : index
    %get3A_20 = arith.constant 0 : index
    %get3A_21 = arith.constant 0 : index
    %get3A_22 = arith.constant 0 : index
    %get3A_23 = vector.load %arg2[%get3A_19, %get3A_20, %get3A_21, %get3A_22] : memref<16x1x80x80xf32, #tpu.memory_space<vmem>>, vector<16x1x80x80xf32>
    %get3A_24 = vector.shape_cast %get3A_23 : vector<16x1x80x80xf32> to vector<16x80x80xf32>
    %logistic3A_25 = arith.negf %get3A_24 : vector<16x80x80xf32>
    %logistic3A_26 = math.exp %logistic3A_25 : vector<16x80x80xf32>
    %logistic3A_27 = arith.constant 1.000000e+00 : f32
    %logistic3A_28 = vector.broadcast %logistic3A_27 : f32 to vector<16x80x80xf32>
    %logistic3A_29 = arith.addf %logistic3A_28, %logistic3A_26 : vector<16x80x80xf32>
    %logistic3A_30 = arith.divf %logistic3A_28, %logistic3A_29 : vector<16x80x80xf32>
    %sub3A_31 = arith.constant 1.000000e+00 : f32
    %sub3A_32 = vector.broadcast %sub3A_31 : f32 to vector<16x80x80xf32>
    %sub3A_33 = arith.subf %sub3A_32, %logistic3A_30 : vector<16x80x80xf32>
    %log3A_34 = math.log %sub3A_33 : vector<16x80x80xf32>
    %neg3A_35 = arith.constant 0.000000e+00 : f32
    %neg3A_36 = vector.broadcast %neg3A_35 : f32 to vector<16x80x80xf32>
    %neg3A_37 = arith.subf %neg3A_36, %log3A_34 : vector<16x80x80xf32>
    %reduce_sum3A_38 = vector.shape_cast %neg3A_37 : vector<16x80x80xf32> to vector<1x16x80x80xf32>
    %reduce_sum3A_39 = arith.constant dense<0.000000e+00> : vector<1xf32>
    %reduce_sum3A_40 = vector.multi_reduction <add>, %reduce_sum3A_38, %reduce_sum3A_39 [1, 2, 3] : vector<1x16x80x80xf32> to vector<1xf32>
    %reduce_sum3A_41 = vector.shape_cast %reduce_sum3A_40 : vector<1xf32> to vector<1x1x1x1xf32>
    %reduce_sum3A_42 = vector.extract %reduce_sum3A_41[0, 0, 0, 0] : f32 from vector<1x1x1x1xf32>
    %add3A_43 = arith.addf %add3A_18, %reduce_sum3A_42 : f32
    %get3A_44 = arith.constant 0 : index
    %get3A_45 = arith.constant 0 : index
    %get3A_46 = arith.constant 0 : index
    %get3A_47 = arith.constant 0 : index
    %get3A_48 = vector.load %arg3[%get3A_44, %get3A_45, %get3A_46, %get3A_47] : memref<16x1x80x80xf32, #tpu.memory_space<vmem>>, vector<16x1x80x80xf32>
    %get3A_49 = vector.shape_cast %get3A_48 : vector<16x1x80x80xf32> to vector<16x80x80xf32>
    %logistic3A_50 = arith.negf %get3A_49 : vector<16x80x80xf32>
    %logistic3A_51 = math.exp %logistic3A_50 : vector<16x80x80xf32>
    %logistic3A_52 = arith.constant 1.000000e+00 : f32
    %logistic3A_53 = vector.broadcast %logistic3A_52 : f32 to vector<16x80x80xf32>
    %logistic3A_54 = arith.addf %logistic3A_53, %logistic3A_51 : vector<16x80x80xf32>
    %logistic3A_55 = arith.divf %logistic3A_53, %logistic3A_54 : vector<16x80x80xf32>
    %sub3A_56 = arith.constant 1.000000e+00 : f32
    %sub3A_57 = vector.broadcast %sub3A_56 : f32 to vector<16x80x80xf32>
    %sub3A_58 = arith.subf %sub3A_57, %logistic3A_55 : vector<16x80x80xf32>
    %log3A_59 = math.log %sub3A_58 : vector<16x80x80xf32>
    %neg3A_60 = arith.constant 0.000000e+00 : f32
    %neg3A_61 = vector.broadcast %neg3A_60 : f32 to vector<16x80x80xf32>
    %neg3A_62 = arith.subf %neg3A_61, %log3A_59 : vector<16x80x80xf32>
    %reduce_sum3A_63 = vector.shape_cast %neg3A_62 : vector<16x80x80xf32> to vector<1x16x80x80xf32>
    %reduce_sum3A_64 = arith.constant dense<0.000000e+00> : vector<1xf32>
    %reduce_sum3A_65 = vector.multi_reduction <add>, %reduce_sum3A_63, %reduce_sum3A_64 [1, 2, 3] : vector<1x16x80x80xf32> to vector<1xf32>
    %reduce_sum3A_66 = vector.shape_cast %reduce_sum3A_65 : vector<1xf32> to vector<1x1x1x1xf32>
    %reduce_sum3A_67 = vector.extract %reduce_sum3A_66[0, 0, 0, 0] : f32 from vector<1x1x1x1xf32>
    %add3A_68 = arith.addf %add3A_43, %reduce_sum3A_67 : f32
    %reshape3A = vector.broadcast %add3A_68 : f32 to vector<1x1xf32>
    %swap3A = arith.constant 0 : index
    %swap3A_69 = arith.constant 0 : index
    %swap3A_70 = vector.load %arg4[%swap3A, %swap3A_69] : memref<1x1xf32, #tpu.memory_space<vmem>>, vector<1x1xf32>
    tpu.vector_store %arg4[%swap3A, %swap3A_69], %reshape3A {strides = array<i32>} : memref<1x1xf32, #tpu.memory_space<vmem>>, vector<1x1xf32>,
    return
  }
  func.func @transform_0(%arg0: i32) -> (i32, i32, i32, i32) {
    %c0_i32 = arith.constant 0 : i32
    %c4_i32 = arith.constant 4 : i32
    %c0_i32_0 = arith.constant 0 : i32
    %c0_i32_1 = arith.constant 0 : i32
    %c0_i32_2 = arith.constant 0 : i32
    return %c0_i32, %c4_i32, %c0_i32_0, %c0_i32_1 : i32, i32, i32, i32
  }
  func.func @transform_1(%arg0: i32) -> (i32, i32, i32, i32) {
    %c0_i32 = arith.constant 0 : i32
    %c10_i32 = arith.constant 10 : i32
    %c0_i32_0 = arith.constant 0 : i32
    %c0_i32_1 = arith.constant 0 : i32
    %c0_i32_2 = arith.constant 0 : i32
    return %c0_i32, %c10_i32, %c0_i32_0, %c0_i32_1 : i32, i32, i32, i32
  }
  func.func @transform_2(%arg0: i32) -> (i32, i32, i32, i32) {
    %c0_i32 = arith.constant 0 : i32
    %c16_i32 = arith.constant 16 : i32
    %c0_i32_0 = arith.constant 0 : i32
    %c0_i32_1 = arith.constant 0 : i32
    %c0_i32_2 = arith.constant 0 : i32
    return %c0_i32, %c16_i32, %c0_i32_0, %c0_i32_1 : i32, i32, i32, i32
  }
  func.func @transform_3(%arg0: i32) -> (i32, i32) {
    %c0_i32 = arith.constant 0 : i32
    %c0_i32_0 = arith.constant 0 : i32
    %c0_i32_1 = arith.constant 0 : i32
    return %c0_i32, %c0_i32_0 : i32, i32
  }
}

module attributes {stable_mosaic.version = 14 : i64} {
  func.func @_tc_combine_body(%arg0: i32, %arg1: memref<1x1xf32, #tpu.memory_space<vmem>>, %arg2: memref<16x16x6xf32, #tpu.memory_space<vmem>>, %arg3: memref<16x5x16xf32, #tpu.memory_space<vmem>>, %arg4: memref<1x1xf32, #tpu.memory_space<vmem>>) attributes {dimension_semantics = [#tpu.dimension_semantics<arbitrary>], iteration_bounds = array<i64: 1>, scalar_prefetch = 0 : i64, scratch_operands = 0 : i64, tpu.core_type = #tpu.core_type<tc>, window_params = [{pipeline_mode = #tpu.pipeline_mode<synchronous>, transform_indices = @transform_0, window_bounds = array<i64: 1, 1>}, {pipeline_mode = #tpu.pipeline_mode<synchronous>, transform_indices = @transform_1, window_bounds = array<i64: 16, 16, 6>}, {pipeline_mode = #tpu.pipeline_mode<synchronous>, transform_indices = @transform_2, window_bounds = array<i64: 16, 5, 16>}, {pipeline_mode = #tpu.pipeline_mode<synchronous>, transform_indices = @transform_3, window_bounds = array<i64: 1, 1>}]} {
    %get3A = arith.constant 0 : index
    %get3A_0 = arith.constant 0 : index
    %get3A_1 = arith.constant 0 : index
    %get3A_2 = vector.load %arg3[%get3A, %get3A_0, %get3A_1] : memref<16x5x16xf32, #tpu.memory_space<vmem>>, vector<16x5x16xf32>
    %get3A_3 = arith.constant 0 : index
    %get3A_4 = arith.constant 0 : index
    %get3A_5 = arith.constant 2 : index
    %get3A_6 = vector.load %arg2[%get3A_3, %get3A_4, %get3A_5] : memref<16x16x6xf32, #tpu.memory_space<vmem>>, vector<16x16x1xf32>
    %get3A_7 = vector.shape_cast %get3A_6 : vector<16x16x1xf32> to vector<16x16xf32>
    %get3A_8 = arith.constant 0 : index
    %get3A_9 = arith.constant 0 : index
    %get3A_10 = arith.constant 3 : index
    %get3A_11 = vector.load %arg2[%get3A_8, %get3A_9, %get3A_10] : memref<16x16x6xf32, #tpu.memory_space<vmem>>, vector<16x16x1xf32>
    %get3A_12 = vector.shape_cast %get3A_11 : vector<16x16x1xf32> to vector<16x16xf32>
    %get3A_13 = arith.constant 0 : index
    %get3A_14 = arith.constant 0 : index
    %get3A_15 = arith.constant 4 : index
    %get3A_16 = vector.load %arg2[%get3A_13, %get3A_14, %get3A_15] : memref<16x16x6xf32, #tpu.memory_space<vmem>>, vector<16x16x1xf32>
    %get3A_17 = vector.shape_cast %get3A_16 : vector<16x16x1xf32> to vector<16x16xf32>
    %get3A_18 = arith.constant 0 : index
    %get3A_19 = arith.constant 0 : index
    %get3A_20 = arith.constant 5 : index
    %get3A_21 = vector.load %arg2[%get3A_18, %get3A_19, %get3A_20] : memref<16x16x6xf32, #tpu.memory_space<vmem>>, vector<16x16x1xf32>
    %get3A_22 = vector.shape_cast %get3A_21 : vector<16x16x1xf32> to vector<16x16xf32>
    %mul3A = arith.constant 8.000000e+01 : f32
    %mul3A_23 = vector.broadcast %mul3A : f32 to vector<16x16xf32>
    %mul3A_24 = arith.mulf %get3A_7, %mul3A_23 : vector<16x16xf32>
    %mul3A_25 = arith.constant 8.000000e+01 : f32
    %mul3A_26 = vector.broadcast %mul3A_25 : f32 to vector<16x16xf32>
    %mul3A_27 = arith.mulf %get3A_12, %mul3A_26 : vector<16x16xf32>
    %max3A = arith.constant 0.000000e+00 : f32
    %max3A_28 = vector.broadcast %max3A : f32 to vector<16x16xf32>
    %max3A_29 = arith.maximumf %mul3A_24, %max3A_28 : vector<16x16xf32>
    %min3A = arith.constant 7.900000e+01 : f32
    %min3A_30 = vector.broadcast %min3A : f32 to vector<16x16xf32>
    %min3A_31 = arith.minimumf %max3A_29, %min3A_30 : vector<16x16xf32>
    %convert_element_type3A = arith.fptosi %min3A_31 : vector<16x16xf32> to vector<16x16xi32>
    %max3A_32 = arith.constant 0.000000e+00 : f32
    %max3A_33 = vector.broadcast %max3A_32 : f32 to vector<16x16xf32>
    %max3A_34 = arith.maximumf %mul3A_27, %max3A_33 : vector<16x16xf32>
    %min3A_35 = arith.constant 7.900000e+01 : f32
    %min3A_36 = vector.broadcast %min3A_35 : f32 to vector<16x16xf32>
    %min3A_37 = arith.minimumf %max3A_34, %min3A_36 : vector<16x16xf32>
    %convert_element_type3A_38 = arith.fptosi %min3A_37 : vector<16x16xf32> to vector<16x16xi32>
    %mul3A_39 = arith.constant 80 : i32
    %mul3A_40 = vector.broadcast %mul3A_39 : i32 to vector<16x16xi32>
    %mul3A_41 = arith.muli %convert_element_type3A_38, %mul3A_40 : vector<16x16xi32>
    %add3A = arith.addi %mul3A_41, %convert_element_type3A : vector<16x16xi32>
    %broadcast_in_dim3A = vector.shape_cast %add3A : vector<16x16xi32> to vector<16x16x1xi32>
    %broadcast_in_dim3A_42 = vector.shape_cast %add3A : vector<16x16xi32> to vector<16x1x16xi32>
    %iota3A = tpu.iota {dimensions = array<i32: 1>} : vector<16x16x16xi32>
    %iota3A_43 = tpu.iota {dimensions = array<i32: 2>} : vector<16x16x16xi32>
    %eq3A = vector.broadcast %broadcast_in_dim3A : vector<16x16x1xi32> to vector<16x16x16xi32>
    %eq3A_44 = vector.broadcast %broadcast_in_dim3A_42 : vector<16x1x16xi32> to vector<16x16x16xi32>
    %eq3A_45 = arith.cmpi eq, %eq3A, %eq3A_44 : vector<16x16x16xi32>
    %gt3A = arith.cmpi sgt, %iota3A_43, %iota3A : vector<16x16x16xi32>
    %and3A = arith.andi %eq3A_45, %gt3A : vector<16x16x16xi1>
    %reduce_or3A = arith.constant 1.000000e+00 : f32
    %reduce_or3A_46 = arith.constant 0.000000e+00 : f32
    %reduce_or3A_47 = vector.broadcast %reduce_or3A : f32 to vector<16x16x16xf32>
    %reduce_or3A_48 = vector.broadcast %reduce_or3A_46 : f32 to vector<16x16x16xf32>
    %reduce_or3A_49 = arith.select %and3A, %reduce_or3A_47, %reduce_or3A_48 : vector<16x16x16xi1>, vector<16x16x16xf32>
    %reduce_or3A_50 = arith.constant dense<0xFF800000> : vector<16x16xf32>
    %reduce_or3A_51 = vector.multi_reduction <maximumf>, %reduce_or3A_49, %reduce_or3A_50 [2] : vector<16x16x16xf32> to vector<16x16xf32>
    %reduce_or3A_52 = arith.constant 0.000000e+00 : f32
    %reduce_or3A_53 = vector.broadcast %reduce_or3A_52 : f32 to vector<16x16xf32>
    %reduce_or3A_54 = arith.cmpf ogt, %reduce_or3A_51, %reduce_or3A_53 : vector<16x16xf32>
    %not3A = arith.constant dense<true> : vector<16x16xi1>
    %not3A_55 = arith.xori %reduce_or3A_54, %not3A : vector<16x16xi1>
    %convert_element_type3A_56 = arith.extui %not3A_55 : vector<16x16xi1> to vector<16x16xi32>
    %convert_element_type3A_57 = arith.sitofp %convert_element_type3A_56 : vector<16x16xi32> to vector<16x16xf32>
    %reduce_sum3A = vector.shape_cast %convert_element_type3A_57 : vector<16x16xf32> to vector<1x16x16xf32>
    %reduce_sum3A_58 = arith.constant dense<0.000000e+00> : vector<1xf32>
    %reduce_sum3A_59 = vector.multi_reduction <add>, %reduce_sum3A, %reduce_sum3A_58 [1, 2] : vector<1x16x16xf32> to vector<1xf32>
    %reduce_sum3A_60 = vector.shape_cast %reduce_sum3A_59 : vector<1xf32> to vector<1x1x1xf32>
    %reduce_sum3A_61 = vector.extract %reduce_sum3A_60[0, 0, 0] : f32 from vector<1x1x1xf32>
    %convert_element_type3A_62 = arith.sitofp %convert_element_type3A : vector<16x16xi32> to vector<16x16xf32>
    %sub3A = arith.subf %mul3A_24, %convert_element_type3A_62 : vector<16x16xf32>
    %convert_element_type3A_63 = arith.sitofp %convert_element_type3A_38 : vector<16x16xi32> to vector<16x16xf32>
    %sub3A_64 = arith.subf %mul3A_27, %convert_element_type3A_63 : vector<16x16xf32>
    %slice3A = vector.extract_strided_slice %get3A_2 {offsets = [0, 0, 0], sizes = [16, 1, 16], strides = [1, 1, 1]} : vector<16x5x16xf32> to vector<16x1x16xf32>
    %squeeze3A = vector.shape_cast %slice3A : vector<16x1x16xf32> to vector<16x16xf32>
    %logistic3A = arith.negf %squeeze3A : vector<16x16xf32>
    %logistic3A_65 = math.exp %logistic3A : vector<16x16xf32>
    %logistic3A_66 = arith.constant 1.000000e+00 : f32
    %logistic3A_67 = vector.broadcast %logistic3A_66 : f32 to vector<16x16xf32>
    %logistic3A_68 = arith.addf %logistic3A_67, %logistic3A_65 : vector<16x16xf32>
    %logistic3A_69 = arith.divf %logistic3A_67, %logistic3A_68 : vector<16x16xf32>
    %slice3A_70 = vector.extract_strided_slice %get3A_2 {offsets = [0, 1, 0], sizes = [16, 1, 16], strides = [1, 1, 1]} : vector<16x5x16xf32> to vector<16x1x16xf32>
    %squeeze3A_71 = vector.shape_cast %slice3A_70 : vector<16x1x16xf32> to vector<16x16xf32>
    %logistic3A_72 = arith.negf %squeeze3A_71 : vector<16x16xf32>
    %logistic3A_73 = math.exp %logistic3A_72 : vector<16x16xf32>
    %logistic3A_74 = arith.constant 1.000000e+00 : f32
    %logistic3A_75 = vector.broadcast %logistic3A_74 : f32 to vector<16x16xf32>
    %logistic3A_76 = arith.addf %logistic3A_75, %logistic3A_73 : vector<16x16xf32>
    %logistic3A_77 = arith.divf %logistic3A_75, %logistic3A_76 : vector<16x16xf32>
    %sub3A_78 = arith.subf %logistic3A_69, %sub3A : vector<16x16xf32>
    %integer_pow3A = arith.mulf %sub3A_78, %sub3A_78 : vector<16x16xf32>
    %sub3A_79 = arith.subf %logistic3A_77, %sub3A_64 : vector<16x16xf32>
    %integer_pow3A_80 = arith.mulf %sub3A_79, %sub3A_79 : vector<16x16xf32>
    %add3A_81 = arith.addf %integer_pow3A, %integer_pow3A_80 : vector<16x16xf32>
    %mul3A_82 = arith.mulf %convert_element_type3A_57, %add3A_81 : vector<16x16xf32>
    %reduce_sum3A_83 = vector.shape_cast %mul3A_82 : vector<16x16xf32> to vector<1x16x16xf32>
    %reduce_sum3A_84 = arith.constant dense<0.000000e+00> : vector<1xf32>
    %reduce_sum3A_85 = vector.multi_reduction <add>, %reduce_sum3A_83, %reduce_sum3A_84 [1, 2] : vector<1x16x16xf32> to vector<1xf32>
    %reduce_sum3A_86 = vector.shape_cast %reduce_sum3A_85 : vector<1xf32> to vector<1x1x1xf32>
    %reduce_sum3A_87 = vector.extract %reduce_sum3A_86[0, 0, 0] : f32 from vector<1x1x1xf32>
    %slice3A_88 = vector.extract_strided_slice %get3A_2 {offsets = [0, 2, 0], sizes = [16, 1, 16], strides = [1, 1, 1]} : vector<16x5x16xf32> to vector<16x1x16xf32>
    %squeeze3A_89 = vector.shape_cast %slice3A_88 : vector<16x1x16xf32> to vector<16x16xf32>
    %sub3A_90 = arith.subf %squeeze3A_89, %get3A_17 : vector<16x16xf32>
    %integer_pow3A_91 = arith.mulf %sub3A_90, %sub3A_90 : vector<16x16xf32>
    %slice3A_92 = vector.extract_strided_slice %get3A_2 {offsets = [0, 3, 0], sizes = [16, 1, 16], strides = [1, 1, 1]} : vector<16x5x16xf32> to vector<16x1x16xf32>
    %squeeze3A_93 = vector.shape_cast %slice3A_92 : vector<16x1x16xf32> to vector<16x16xf32>
    %sub3A_94 = arith.subf %squeeze3A_93, %get3A_22 : vector<16x16xf32>
    %integer_pow3A_95 = arith.mulf %sub3A_94, %sub3A_94 : vector<16x16xf32>
    %add3A_96 = arith.addf %integer_pow3A_91, %integer_pow3A_95 : vector<16x16xf32>
    %mul3A_97 = arith.mulf %convert_element_type3A_57, %add3A_96 : vector<16x16xf32>
    %reduce_sum3A_98 = vector.shape_cast %mul3A_97 : vector<16x16xf32> to vector<1x16x16xf32>
    %reduce_sum3A_99 = arith.constant dense<0.000000e+00> : vector<1xf32>
    %reduce_sum3A_100 = vector.multi_reduction <add>, %reduce_sum3A_98, %reduce_sum3A_99 [1, 2] : vector<1x16x16xf32> to vector<1xf32>
    %reduce_sum3A_101 = vector.shape_cast %reduce_sum3A_100 : vector<1xf32> to vector<1x1x1xf32>
    %reduce_sum3A_102 = vector.extract %reduce_sum3A_101[0, 0, 0] : f32 from vector<1x1x1xf32>
    %slice3A_103 = vector.extract_strided_slice %get3A_2 {offsets = [0, 4, 0], sizes = [16, 1, 16], strides = [1, 1, 1]} : vector<16x5x16xf32> to vector<16x1x16xf32>
    %squeeze3A_104 = vector.shape_cast %slice3A_103 : vector<16x1x16xf32> to vector<16x16xf32>
    %logistic3A_105 = arith.negf %squeeze3A_104 : vector<16x16xf32>
    %logistic3A_106 = math.exp %logistic3A_105 : vector<16x16xf32>
    %logistic3A_107 = arith.constant 1.000000e+00 : f32
    %logistic3A_108 = vector.broadcast %logistic3A_107 : f32 to vector<16x16xf32>
    %logistic3A_109 = arith.addf %logistic3A_108, %logistic3A_106 : vector<16x16xf32>
    %logistic3A_110 = arith.divf %logistic3A_108, %logistic3A_109 : vector<16x16xf32>
    %log3A = math.log %logistic3A_110 : vector<16x16xf32>
    %neg3A = arith.constant 0.000000e+00 : f32
    %neg3A_111 = vector.broadcast %neg3A : f32 to vector<16x16xf32>
    %neg3A_112 = arith.subf %neg3A_111, %log3A : vector<16x16xf32>
    %mul3A_113 = arith.mulf %convert_element_type3A_57, %neg3A_112 : vector<16x16xf32>
    %reduce_sum3A_114 = vector.shape_cast %mul3A_113 : vector<16x16xf32> to vector<1x16x16xf32>
    %reduce_sum3A_115 = arith.constant dense<0.000000e+00> : vector<1xf32>
    %reduce_sum3A_116 = vector.multi_reduction <add>, %reduce_sum3A_114, %reduce_sum3A_115 [1, 2] : vector<1x16x16xf32> to vector<1xf32>
    %reduce_sum3A_117 = vector.shape_cast %reduce_sum3A_116 : vector<1xf32> to vector<1x1x1xf32>
    %reduce_sum3A_118 = vector.extract %reduce_sum3A_117[0, 0, 0] : f32 from vector<1x1x1xf32>
    %sub3A_119 = arith.constant 1.000000e+00 : f32
    %sub3A_120 = vector.broadcast %sub3A_119 : f32 to vector<16x16xf32>
    %sub3A_121 = arith.subf %sub3A_120, %logistic3A_110 : vector<16x16xf32>
    %log3A_122 = math.log %sub3A_121 : vector<16x16xf32>
    %neg3A_123 = arith.constant 0.000000e+00 : f32
    %neg3A_124 = vector.broadcast %neg3A_123 : f32 to vector<16x16xf32>
    %neg3A_125 = arith.subf %neg3A_124, %log3A_122 : vector<16x16xf32>
    %mul3A_126 = arith.mulf %convert_element_type3A_57, %neg3A_125 : vector<16x16xf32>
    %reduce_sum3A_127 = vector.shape_cast %mul3A_126 : vector<16x16xf32> to vector<1x16x16xf32>
    %reduce_sum3A_128 = arith.constant dense<0.000000e+00> : vector<1xf32>
    %reduce_sum3A_129 = vector.multi_reduction <add>, %reduce_sum3A_127, %reduce_sum3A_128 [1, 2] : vector<1x16x16xf32> to vector<1xf32>
    %reduce_sum3A_130 = vector.shape_cast %reduce_sum3A_129 : vector<1xf32> to vector<1x1x1xf32>
    %reduce_sum3A_131 = vector.extract %reduce_sum3A_130[0, 0, 0] : f32 from vector<1x1x1xf32>
    %div3A = arith.divf %reduce_sum3A_87, %reduce_sum3A_61 : f32
    %div3A_132 = arith.divf %reduce_sum3A_102, %reduce_sum3A_61 : f32
    %div3A_133 = arith.divf %reduce_sum3A_118, %reduce_sum3A_61 : f32
    %get3A_134 = arith.constant 0 : index
    %get3A_135 = arith.constant 0 : index
    %get3A_136 = vector.load %arg1[%get3A_134, %get3A_135] : memref<1x1xf32, #tpu.memory_space<vmem>>, vector<1x1xf32>
    %get3A_137 = vector.extract %get3A_136[0, 0] : f32 from vector<1x1xf32>
    %sub3A_138 = arith.subf %get3A_137, %reduce_sum3A_131 : f32
    %sub3A_139 = arith.constant 3.072000e+05 : f32
    %sub3A_140 = arith.subf %sub3A_139, %reduce_sum3A_61 : f32
    %div3A_141 = arith.divf %sub3A_138, %sub3A_140 : f32
    %add3A_142 = arith.addf %div3A, %div3A_132 : f32
    %mul3A_143 = arith.constant 5.000000e+00 : f32
    %mul3A_144 = arith.mulf %mul3A_143, %add3A_142 : f32
    %mul3A_145 = arith.constant 1.000000e+00 : f32
    %mul3A_146 = arith.mulf %mul3A_145, %div3A_133 : f32
    %add3A_147 = arith.addf %mul3A_144, %mul3A_146 : f32
    %mul3A_148 = arith.constant 5.000000e-01 : f32
    %mul3A_149 = arith.mulf %mul3A_148, %div3A_141 : f32
    %add3A_150 = arith.addf %add3A_147, %mul3A_149 : f32
    %reshape3A = vector.broadcast %add3A_150 : f32 to vector<1x1xf32>
    %swap3A = arith.constant 0 : index
    %swap3A_151 = arith.constant 0 : index
    %swap3A_152 = vector.load %arg4[%swap3A, %swap3A_151] : memref<1x1xf32, #tpu.memory_space<vmem>>, vector<1x1xf32>
    tpu.vector_store %arg4[%swap3A, %swap3A_151], %reshape3A {strides = array<i32>} : memref<1x1xf32, #tpu.memory_space<vmem>>, vector<1x1xf32>,
    return
  }
  func.func @transform_0(%arg0: i32) -> (i32, i32) {
    %c0_i32 = arith.constant 0 : i32
    %c0_i32_0 = arith.constant 0 : i32
    %c0_i32_1 = arith.constant 0 : i32
    return %c0_i32, %c0_i32_0 : i32, i32
  }
  func.func @transform_1(%arg0: i32) -> (i32, i32, i32) {
    %c0_i32 = arith.constant 0 : i32
    %c0_i32_0 = arith.constant 0 : i32
    %c0_i32_1 = arith.constant 0 : i32
    %c0_i32_2 = arith.constant 0 : i32
    return %c0_i32, %c0_i32_0, %c0_i32_1 : i32, i32, i32
  }
  func.func @transform_2(%arg0: i32) -> (i32, i32, i32) {
    %c0_i32 = arith.constant 0 : i32
    %c0_i32_0 = arith.constant 0 : i32
    %c0_i32_1 = arith.constant 0 : i32
    %c0_i32_2 = arith.constant 0 : i32
    return %c0_i32, %c0_i32_0, %c0_i32_1 : i32, i32, i32
  }
  func.func @transform_3(%arg0: i32) -> (i32, i32) {
    %c0_i32 = arith.constant 0 : i32
    %c0_i32_0 = arith.constant 0 : i32
    %c0_i32_1 = arith.constant 0 : i32
    return %c0_i32, %c0_i32_0 : i32, i32
  }
}

</mosaic_0001>

<sc_bundles>
// kernel: kernel.5.cloned.1.call-start
scs
__scs_entry_jumppad:
0x0: {  	(pc) =	sbr.rel $0x88, $3  }
0x1: {  	(tag) =	ssettag $0x0;
	lr =	simm.s32 $0x1  }
0x2: {  	[smem:$0x3F9F] =	sst lr;
	_ =	strace $0xD0000000  }
0x3: {  	_ = 	snop  }
0x4: {  	_ = 	snop  }
0x5: {  	_ = 	snop  }
0x6: {  	_ = 	snop  }
0x7: {  	_ = 	snop  }
__scs_overlays_trampoline_lowered:
0x8: {  	[smem:$0x3FAE] =	sst s0  }
0x9: {  	[smem:$0x3FAF] =	sst s1  }
0xa: {  	[smem:$0x3FB0] =	sst s2  }
0xb: {  	[smem:$0x3FB1] =	sst s3  }
0xc: {  	[smem:$0x3FB2] =	sst s4  }
0xd: {  	[smem:$0x3FB3] =	sst s5  }
0xe: {  	[smem:$0x3FB4] =	sst s6  }
0xf: {  	[smem:$0x3FB5] =	sst s7  }
0x10: {  	[smem:$0x3FB6] =	sst s8  }
0x11: {  	[smem:$0x3FB7] =	sst s9;
	s0 =	simm.s32 @!p0 $0x0  }
0x12: {  	s1 =	sld [smem:$0x3F9D];
	s0 =	simm.s32 @p0 $0x1  }
0x13: {  	[smem:$0x3FB8] =	sst s0;
	s0 =	simm.s32 @!p1 $0x0  }
0x14: {  	s2 =	sld [smem:$0x3F9C];
	s0 =	simm.s32 @p1 $0x1  }
0x15: {  	[smem:$0x3FB9] =	sst s0;
	s0 =	simm.s32 @!p2 $0x0  }
0x16: {  	s3 =	sld [smem:$0x3FDB];
	s0 =	simm.s32 @p2 $0x1  }
0x17: {  	s4 =	simm.s32 $0x1BF5;
	[smem:$0x3FBB] =	sst s0  }
0x18: {  	s0 =	sld [smem:$0x3F9E];
	_ =	swait.ge [sflag:s4], $0x0  }
0x19: {  	s7 =	sld [smem:$0x3F9F]  }
0x1a: {  	s8 =	sadd.s32 $0xFFFFE003, lr  }
0x1b: {  	s9 =	sadd.s32 $0xFFFFFEF7, lr;
	s5 =	simm.s32 $0xFFFFFFFF;
	p2 =	slt.u32 s8, $0xFFFFF086  }
0x1c: {  	p1 =	slt.u32 s9, $0xF7A;
	s5 =	simm.s32 @!p2 $0x0  }
0x1d: {  	s5 =	simm.s32 @p1 $0x1;
	p0 =	seq.s32 s7, s2  }
0x1e: {  	s7 =	smul.u32 @!p0 $0xF7A, s2;
	p2 =	seq.s32 @!p0 s5, $0x0  }
0x1f: {  	s9 =	smul.u32 $0xF7A, s1;
	s8 =	simm.s32 @!p0 $0x1BF5;
	p2 =	por !p2, p0  }
0x20: {  	[sflag:s8] =	ssyncset.s32 @!p0 $0xFFFFF086;
	s6 =	sadd.s32 @!p0 s3, s7;
	s7 =	simm.s32 @!p0 $0x108  }
0x21: {  	s3 =	sadd.s32 s3, s9;
	s6 =	sadd.s32 @!p0 $0x88, s6;
	s7 =	simm.s32 @p2 $0x1082  }
0x22: {  	[simem:s7], [sflag:s8] =	dma.local @!p0 [hbm:s6], $0xF7A  }
0x23: {  	s9 =	sor.u32 $0xD0000000, s2;
	s6 =	simm.s32 $0x108;
	_ =	swait.ge @!p0 [sflag:s8], $0x0  }
0x24: {  	s3 =	sadd.s32 $0x88, s3;
	s6 =	simm.s32 @!p1 $0x1082;
	[sflag:s4] =	ssyncset.s32 $0xFFFFF086  }
0x25: {  	[simem:s6], [sflag:s4] =	dma.local [hbm:s3], $0xF7A  }
0x26: {  	[smem:$0x3F9F] =	sst s1;
	(tag) =	ssettag s2;
	_ =	strace s9  }
0x27: {  	s1 =	sld [smem:$0x3FAF]  }
0x28: {  	s2 =	sld [smem:$0x3FB0]  }
0x29: {  	s4 =	sld [smem:$0x3FB2]  }
0x2a: {  	p0 =	seq.s32 s5, $0x0;
	s5 =	sld [smem:$0x3FB3]  }
0x2b: {  	s6 =	sld [smem:$0x3FB4]  }
0x2c: {  	s7 =	sld [smem:$0x3FB5]  }
0x2d: {  	s3 =	simm.s32 $0x108;
	s8 =	sld [smem:$0x3FB6]  }
0x2e: {  	s3 =	simm.s32 @!p0 $0x1082;
	s9 =	sld [smem:$0x3FB7]  }
0x2f: {  	lr =	sadd.s32 s0, s3;
	s0 =	sld [smem:$0x3FAE]  }
0x30: {  	s3 =	sld [smem:$0x3FB1]  }
0x31: {  	[smem:$0x3FBA] =	sst s10  }
0x32: {  	s10 =	sld [smem:$0x3FB8];
	_ =	sdelay $0x3  }
0x33: {  	p0 =	seq.s32 s10, $0x1;
	s10 =	sld [smem:$0x3FBA];
	_ =	sdelay $0x3  }
0x34: {  	[smem:$0x3FBA] =	sst s10  }
0x35: {  	s10 =	sld [smem:$0x3FB9];
	_ =	sdelay $0x3  }
0x36: {  	p1 =	seq.s32 s10, $0x1;
	s10 =	sld [smem:$0x3FBA];
	_ =	sdelay $0x3  }
0x37: {  	[smem:$0x3FBA] =	sst s10  }
0x38: {  	s10 =	sld [smem:$0x3FBB]  }
0x39: {  	_ = 	snop;
	(pc) =	sbr.ind lr, $3  }
0x3a: {  	_ = 	snop  }
0x3b: {  	_ = 	snop  }
0x3c: {  	p2 =	seq.s32 s10, $0x1;
	s10 =	sld [smem:$0x3FBA]  }
0x3d: {  	_ =	shalt  }
0x3e: {  	_ =	shalt  }
0x3f: {  	_ =	shalt  }
0x40: {  	_ =	shalt  }
0x41: {  	_ =	shalt  }
0x42: {  	_ =	shalt  }
0x43: {  	_ =	shalt  }
0x44: {  	_ =	shalt  }
0x45: {  	_ =	shalt  }
0x46: {  	_ =	shalt  }
0x47: {  	_ =	shalt  }
0x48: {  	_ =	shalt  }
0x49: {  	_ =	shalt  }
0x4a: {  	_ =	shalt  }
0x4b: {  	_ =	shalt  }
0x4c: {  	_ =	shalt  }
0x4d: {  	_ =	shalt  }
0x4e: {  	_ =	shalt  }
0x4f: {  	_ =	shalt  }
0x50: {  	_ =	shalt  }
0x51: {  	_ =	shalt  }
0x52: {  	_ =	shalt  }
0x53: {  	_ =	shalt  }
0x54: {  	_ =	shalt  }
0x55: {  	_ =	shalt  }
0x56: {  	_ =	shalt  }
0x57: {  	_ =	shalt  }
0x58: {  	_ =	shalt  }
0x59: {  	_ =	shalt  }
0x5a: {  	_ =	shalt  }
0x5b: {  	_ =	shalt  }
0x5c: {  	_ =	shalt  }
0x5d: {  	_ =	shalt  }
0x5e: {  	_ =	shalt  }
0x5f: {  	_ =	shalt  }
0x60: {  	_ =	shalt  }
0x61: {  	_ =	shalt  }
0x62: {  	_ =	shalt  }
0x63: {  	_ =	shalt  }
0x64: {  	_ =	shalt  }
0x65: {  	_ =	shalt  }
0x66: {  	_ =	shalt  }
0x67: {  	_ =	shalt  }
0x68: {  	_ =	shalt  }
0x69: {  	_ =	shalt  }
0x6a: {  	_ =	shalt  }
0x6b: {  	_ =	shalt  }
0x6c: {  	_ =	shalt  }
0x6d: {  	_ =	shalt  }
0x6e: {  	_ =	shalt  }
0x6f: {  	_ =	shalt  }
0x70: {  	_ =	shalt  }
0x71: {  	_ =	shalt  }
0x72: {  	_ =	shalt  }
0x73: {  	_ =	shalt  }
0x74: {  	_ =	shalt  }
0x75: {  	_ =	shalt  }
0x76: {  	_ =	shalt  }
0x77: {  	_ =	shalt  }
0x78: {  	_ =	shalt  }
0x79: {  	_ =	shalt  }
0x7a: {  	_ =	shalt  }
0x7b: {  	_ =	shalt  }
0x7c: {  	_ =	shalt  }
0x7d: {  	_ =	shalt  }
0x7e: {  	_ =	shalt  }
0x7f: {  	_ =	shalt  }
0x80: {  	_ =	shalt  }
0x81: {  	_ =	shalt  }
0x82: {  	_ =	shalt  }
0x83: {  	_ =	shalt  }
0x84: {  	_ =	shalt  }
0x85: {  	_ =	shalt  }
0x86: {  	_ =	shalt  }
0x87: {  	_ =	shalt  }
.Lfunc_end0:
.L_simem_size_0:
called_computation_lowered:
.L_overlay_start_0:
0x88: {  	s2 =	sld [smem:$0x3FD9]  }
0x89: {  	s3 =	sld [smem:$0x3FFE];
	_ =	sdelay $0x1  }
0x8a: {  	s1 =	srdreg.scid  }
0x8b: {  	s0 =	sand.u32 $0x1, s1  }
0x8c: {  	s17 =	sshll.u32 s0, $0xA;
	s2 =	sadd.s32 s3, s2  }
0x8d: {  	s2 =	sadd.s32 s2, s17  }
0x8e: {  	[smem:$0x3FC6] =	sst s2  }
0x8f: {  	_ = 	snop  }
0x90: {  	s2 =	sld [smem:$0x3FC9];
	(tm) =	ssettm $0x1  }
0x91: {  	s18 =	sld [smem:$0x3FFB];
	_ =	sdelay $0x3  }
0x92: {  	_ =	strace s18  }
0x93: {  	s3 =	sld [smem:$0x3FFC];
	_ =	sdelay $0x3  }
0x94: {  	_ =	strace s3  }
0x95: {  	s3 =	sld [smem:$0x3FFD];
	_ =	sdelay $0x3  }
0x96: {  	_ =	strace s3  }
0x97: {  	_ =	strace $0x8FFFFFFF  }
0x98: {  	s19 =	sld [smem:$0x3FDB];
	_ =	sdelay $0x1  }
0x99: {  	s4 =	simm.s32 $_scs_section_size  }
0x9a: {  	s5 =	simm.s32 $_size__tile_overlayer_lowered;
	s6 =	simm.s32 $_tile_overlayer_lowered  }
0x9b: {  	s22 =	simm.s32 $0x1BFF;
	s21 =	sshll.u32 s6, $0x1;
	s3 =	sadd.s32 s4, s19  }
0x9c: {  	s7 =	simm.s32 $0x0;
	s20 =	sshll.u32 s5, $0x1;
	s5 =	sadd.s32 s21, s3  }
0x9d: {  	[timem:s7], [sflag:s22] =	dma.local [hbm:s5], s20  }
0x9e: {  	_ =	swait.ge [sflag:s22], s20  }
0x9f: {  	s4 =	ssub.s32 $0x0, s20;
	[sflag:s22] =	ssyncset.done $0x0  }
0xa0: {  	[sflag:s22] =	ssyncadd.s32 s4;
	_ =	sdelay $0x1  }
0xa1: {  	s23 =	simm.s32 $0x1B8B  }
0xa2: {  	_ =	swait.ge [sflag:s23], $0x1  }
0xa3: {  	[sflag:s23] =	ssyncset.done $0x0  }
0xa4: {  	s25 =	simm.s32 $0x1B8E;
	s24 =	sld [smem:$0x3FFE];
	[sflag:s23] =	ssyncadd.s32 $0xFFFFFFFF  }
0xa5: {  	s26 =	simm.s32 $execute0_lowered;
	[smem:$0x3FD2] =	sst s25  }
0xa6: {  	s5 =	sshll.u32 s26, $0x1;
	_ =	strace $0x80000046;
	[dreg:$0x1] =	wrdreg $0xFFFFFFFF  }
0xa7: {  	s28 =	simm.s32 $_size_execute0_lowered;
	s3 =	sadd.s32 s3, s5;
	[dreg:$0x0] =	wrdreg $0x0  }
0xa8: {  	s5 =	sshll.u32 s28, $0x1;
	[dreg:$0x2] =	wrdreg s3  }
0xa9: {  	[dreg:$0x3] =	wrdreg s5  }
0xaa: {  	[dreg:$0x4] =	wrdreg $0xC0  }
0xab: {  	_ =	task [dreg:s7], $0x5FFFF  }
0xac: {  	[dreg:$0x1] =	wrdreg $0xFFFFFFFF  }
0xad: {  	[dreg:$0x0] =	wrdreg $0x60  }
0xae: {  	[dreg:$0x2] =	wrdreg s2  }
0xaf: {  	[dreg:$0x3] =	wrdreg s24  }
0xb0: {  	[dreg:$0x4] =	wrdreg $0x9  }
0xb1: {  	_ =	task.clear_ibuf [dreg:s7], $0x5FFFF;
	_ =	strace $0x90000046  }
0xb2: {  	s29 =	simm.s32 $0x9;
	_ =	strace $0x80000048  }
0xb3: {  	_ =	swait.ge [sflag:s29], $0x1  }
0xb4: {  	[sflag:s29] =	ssyncadd.s32 $0xFFFFFFFF  }
0xb5: {  	_ =	strace $0x90000048  }
0xb6: {  	_ =	sfence  }
0xb7: {  	s30 =	sld [smem:$0x0];
	_ =	sdelay $0x2  }
0xb8: {  	s31 =	sshll.u32 s1, $0xD;
	s1 =	sshrl.u32 s1, $0x2  }
0xb9: {  	s3 =	sand.u32 $0x4000, s31;
	s1 =	sadd.s32 s1, s30  }
0xba: {  	s0 =	sor.u32 s3, s0;
	s1 =	sshll.u32 s1, $0x11  }
0xbb: {  	s0 =	sor.u32 s1, s0  }
0xbc: {  	s0 =	sadd.s32 $0x8F2B, s0  }
0xbd: {  	[sflag:s0] =	ssyncadd.remote.s32 $0x1  }
0xbe: {  	_ =	sfence.sel $0xFFFF  }
0xbf: {  	[dreg:$0x0] =	wrdreg $0xFFFFFFFF;
	(pc) =	sbr.abs _section_cstart, $3  }
0xc0: {  	[dreg:$0x1] =	wrdreg $0xFFFFFFFF  }
0xc1: {  	_ =	task.clear_ibuf [dreg:s7], $0x2FFFF;
	_ =	strace $0x9FFFFFFF  }
0xc2: {  	(tm) =	ssettm $0x7FFFFFFF  }
0xc3: {  	_ =	shalt  }
tec
execute0_lowered:
.L_overlay_start_1:
0x0: {  	(tag) =	ssettag $0x1  }
0x1: {  	s3 =	rddreg [dreg:$0x0]  }
0x2: {  	s0 =	stileid.u32;
	s1 =	srdreg.scid  }
0x3: {  	s9 =	rddreg [dreg:$0x1];
	s10 =	sand.u32 $0x1, s1;
	s4 =	smul.u32 $0x5A00, s0  }
0x4: {  	s2 =	simm.s32 $0x0;
	s1 =	rddreg [dreg:$0x2];
	s5 =	smul.u32 $0xA00, s10  }
0x5: {  	[smem:$0x7FF] =	sst s2  }
0x6: {  	v0 =	vlaneseq.u32;
	s6 =	sshll.u32 s0, $0x8;
	_ =	strace $0x80000047;
	s4 =	sadd.s32 s5, s4  }
0x7: {  	v1 =	vmul.u32 $0x80, v0;
	s28 =	sadd.s32 s6, s9;
	s3 =	sadd.s32 s3, s4;
	s4 =	simm.s32 $0x800  }
0x8: {  	[tilespmem:s4], [sflag:$0x1] =	stream.linear.gather [hbm4b:s3+s2], $0x7800, $0x38;
	[tilespmem:$0x8080] =	vst v63  }
0x9: {  	s6 =	simm.s32 $0x2;
	v0 =	vor.u32 $0x2, v1;
	s5 =	sadd.s32 $0x800, s28  }
0xa: {  	v1 =	vor.u32 $0x3, v1;
	[tilespmem:s2], [sflag:$0x2] =	stream.linear.gather [hbm4b:s5+s2], $0x800, $0x38;
	[tilespmem:$0x8080] =	vst v63  }
0xb: {  	_ =	swait.ge [sflag:s6], $0x800  }
0xc: {  	[sflag:s6] =	ssyncset.done $0x0  }
0xd: {  	[sflag:s6] =	ssyncadd.s32 $0xFFFFF800  }
0xe: {  	v2 =	vld.idx.msk [tilespmem:v0+s2+$0x0], $0xffff  }
0xf: {  	v3 =	vld.idx.msk [tilespmem:v1+s2+$0x0], $0xffff;
	_ =	sdelay $0x4  }
0x10: {  	v2 =	vmul.f32 $8.000000000e+01, v2;
	v3 =	vmul.f32 $8.000000000e+01, v3;
	_ =	sdelay $0x1  }
0x11: {  	v2 =	vmax.f32 v2, $0.0e+00;
	v3 =	vmax.f32 v3, $0.0e+00  }
0x12: {  	v2 =	vmin.f32 v2, $7.900000000e+01;
	v3 =	vmin.f32 v3, $7.900000000e+01  }
0x13: {  	v2 =	vtrunc.f32 v2;
	v3 =	vtrunc.f32 v3  }
0x14: {  	v2 =	vcvt.f32.s32 v2;
	v3 =	vcvt.f32.s32 v3;
	_ =	sdelay $0x1  }
0x15: {  	v4 =	vand.u32 $0xFFFFFF80, v2;
	v3 =	vshll.u32 v3, $0x7  }
0x16: {  	v2 =	vand.u32 $0x7F, v2;
	v3 =	vadd.s32 v4, v3  }
0x17: {  	v4 =	vor.u32 v2, v3  }
0x18: {  	s7 =	simm.s32 $0x1  }
0x19: {  	_ =	swait.ge [sflag:s7], $0x7800  }
0x1a: {  	[sflag:s7] =	ssyncset.done $0x0  }
0x1b: {  	[sflag:s7] =	ssyncadd.s32 $0xFFFF8800  }
0x1c: {  	v5 =	vld.idx.msk [tilespmem:v4+s4+$0x0], $0xffff  }
0x1d: {  	v4 =	vadd.s32 $0x2800, v4;
	_ =	sdelay $0x3  }
0x1e: {  	p0 =	seq.s32 s10, $0x1;
	[tilespmem:$0x8000] =	vst v5  }
0x1f: {  	v2 =	vadd.s32 @p0 v2, v3;
	v3 =	vld.idx.msk [tilespmem:v4+s4+$0x0], $0xffff  }
0x20: {  	v2 =	vadd.s32 @p0 $0x5000, v2;
	_ =	sdelay $0x3  }
0x21: {  	s8 =	simm.s32 @p0 $0x800;
	[tilespmem:$0x8010] =	vst v3  }
0x22: {  	s29 =	ssub.s32 $0x2, s10;
	v2 =	vld.idx.msk @p0 [tilespmem:v2+s8+$0x0], $0xffff  }
0x23: {  	s11 =	smul.u32 $0x50, s0;
	s31 =	sshrl.u32 s29, $0x1  }
0x24: {  	s13 =	sadd.s32 $0x1800, s9;
	s15 =	smul.u32 $0xA, s0;
	s14 =	ssub.s32 s29, s31  }
0x25: {  	s30 =	sshrl.u32 s11, $0x3;
	s11 =	simm.s32 @p0 $0x8000;
	s14 =	smax.u32 s14, $0x1  }
0x26: {  	s12 =	simm.s32 @p0 $0x2;
	s10 =	sadd.s32 s13, s30;
	s14 =	sadd.s32 $0xFFFFFFFF, s14  }
0x27: {  	s9 =	sadd.s32 $0x4, s10;
	s10 =	simm.s32 @p0 $0x0;
	p1 =	sne.s32 s14, $0x0;
	[tilespmem:$0x8020] =	vst @p0 v2  }
0x28: {  	[hbm4b:s9+s10] =	stream.linear.scatter @p0 [tilespmem:s11], [sflag:$0x2], $0x30, $0x38;
	[tilespmem:$0x8080] =	vst v63  }
.Ltmp0:
0x29: {  	_ =	swait.ge @p0 [sflag:s12], $0x30;
	(pc) =	sbr.rel @!p1 .LBB2_2-.Ltmp0, $4  }
0x2a: {  	s16 =	simm.s32 @!p0 $0x0;
	s17 =	simm.s32 @!p0 $0x8000;
	[sflag:s12] =	ssyncset.done @p0 $0x0  }
0x2b: {  	s13 =	sadd.s32 s13, s15;
	s15 =	simm.s32 @!p0 $0x2;
	[sflag:s12] =	ssyncadd.s32 @p0 $0xFFFFFFD0  }
0x2c: {  	[hbm4b:s13+s16] =	stream.linear.scatter @!p0 [tilespmem:s17], [sflag:$0x2], $0x20, $0x38;
	[tilespmem:$0x8080] =	vst v63  }
0x2d: {  	_ =	swait.ge @!p0 [sflag:s15], $0x20  }
.LBB2_1:
0x2e: {  	s14 =	sadd.s32 $0xFFFFFFFF, s14;
	[sflag:s15] =	ssyncset.done @!p0 $0x0  }
0x2f: {  	p1 =	sne.s32 s14, $0x0;
	[sflag:s15] =	ssyncadd.s32 @!p0 $0xFFFFFFE0  }
0x30: {  	[tilespmem:s4], [sflag:$0x1] =	stream.linear.gather [hbm4b:s3+s2], $0x7800, $0x38;
	[tilespmem:$0x8080] =	vst v63  }
0x31: {  	_ = 	snop  }
0x32: {  	[tilespmem:s2], [sflag:$0x2] =	stream.linear.gather [hbm4b:s5+s2], $0x800, $0x38;
	[tilespmem:$0x8080] =	vst v63  }
0x33: {  	_ =	swait.ge [sflag:s6], $0x800  }
0x34: {  	[sflag:s6] =	ssyncset.done $0x0  }
0x35: {  	[sflag:s6] =	ssyncadd.s32 $0xFFFFF800  }
0x36: {  	v2 =	vld.idx.msk [tilespmem:v0+s2+$0x0], $0xffff  }
0x37: {  	v3 =	vld.idx.msk [tilespmem:v1+s2+$0x0], $0xffff;
	_ =	sdelay $0x4  }
0x38: {  	v2 =	vmul.f32 $8.000000000e+01, v2  }
0x39: {  	v3 =	vmul.f32 $8.000000000e+01, v3  }
0x3a: {  	v2 =	vmax.f32 v2, $0.0e+00  }
0x3b: {  	v2 =	vmin.f32 v2, $7.900000000e+01;
	v3 =	vmax.f32 v3, $0.0e+00  }
0x3c: {  	v3 =	vmin.f32 v3, $7.900000000e+01;
	v2 =	vtrunc.f32 v2  }
0x3d: {  	v2 =	vcvt.f32.s32 v2;
	v3 =	vtrunc.f32 v3  }
0x3e: {  	v3 =	vcvt.f32.s32 v3  }
0x3f: {  	v4 =	vand.u32 $0xFFFFFF80, v2  }
0x40: {  	v2 =	vand.u32 $0x7F, v2;
	v3 =	vshll.u32 v3, $0x7  }
0x41: {  	v3 =	vadd.s32 v4, v3  }
0x42: {  	v4 =	vor.u32 v2, v3;
	v2 =	vadd.s32 @p0 v2, v3  }
0x43: {  	_ =	swait.ge [sflag:s7], $0x7800  }
0x44: {  	[sflag:s7] =	ssyncset.done $0x0  }
0x45: {  	[sflag:s7] =	ssyncadd.s32 $0xFFFF8800;
	_ =	sdelay $0x1  }
0x46: {  	v3 =	vld.idx.msk [tilespmem:v4+s4+$0x0], $0xffff  }
0x47: {  	v4 =	vadd.s32 $0x2800, v4;
	_ =	sdelay $0x4  }
0x48: {  	[tilespmem:$0x8000] =	vst v3  }
0x49: {  	v3 =	vld.idx.msk [tilespmem:v4+s4+$0x0], $0xffff  }
0x4a: {  	v2 =	vadd.s32 @p0 $0x5000, v2;
	_ =	sdelay $0x4  }
0x4b: {  	[tilespmem:$0x8010] =	vst v3  }
0x4c: {  	v2 =	vld.idx.msk @p0 [tilespmem:v2+s8+$0x0], $0xffff;
	_ =	sdelay $0x5  }
0x4d: {  	[tilespmem:$0x8020] =	vst @p0 v2  }
0x4e: {  	[hbm4b:s9+s10] =	stream.linear.scatter @p0 [tilespmem:s11], [sflag:$0x2], $0x30, $0x38;
	[tilespmem:$0x8080] =	vst v63  }
.Ltmp1:
0x4f: {  	_ =	swait.ge @p0 [sflag:s12], $0x30;
	(pc) =	sbr.rel @p1 .LBB2_1-.Ltmp1, $4  }
0x50: {  	[sflag:s12] =	ssyncset.done @p0 $0x0  }
0x51: {  	[sflag:s12] =	ssyncadd.s32 @p0 $0xFFFFFFD0  }
0x52: {  	[hbm4b:s13+s16] =	stream.linear.scatter @!p0 [tilespmem:s17], [sflag:$0x2], $0x20, $0x38;
	[tilespmem:$0x8080] =	vst v63  }
0x53: {  	_ =	swait.ge @!p0 [sflag:s15], $0x20  }
.LBB2_2:
0x54: {  	[sflag:s15] =	ssyncset.done @!p0 $0x0  }
0x55: {  	[sflag:s15] =	ssyncadd.s32 @!p0 $0xFFFFFFE0  }
0x56: {  	_ =	sfence.sel $0x180000  }
0x57: {  	[bflag:$0x0] =	sbarrier.arrive $0xFFFF  }
0x58: {  	p0 =	sne.s32 s0, $0x0;
	_ =	strace $0x90000047  }
0x59: {  	s0 =	sadd.s32 @!p0 $0x100000, s1;
	[bflag:$0x2] =	sbarrier.arrive $0xFFFF  }
0x5a: {  	[sflag:s0] =	ssyncadd.tile.s32 @!p0 $0x1;
	_ =	shalt  }
.Lfunc_end2:
_tile_overlayer_lowered:
.L_overlay_start_2:
0x5b: {  	(tag) =	ssettag $0x2  }
0x5c: {  	s0 =	rddreg [dreg:$0x0];
	s2 =	stileid.u32  }
0x5d: {  	s1 =	rddreg [dreg:$0x1];
	p0 =	sne.s32 s2, $0x0  }
0x5e: {  	s3 =	rddreg [dreg:$0x2];
	[bflag:$0x3] =	sbarrier.arrive $0xFFFF;
	s2 =	simm.s32 @!p0 $0x1C02  }
0x5f: {  	[timem:s3], [sflag:s2] =	dma.local @!p0 [hbm:s0], s1  }
0x60: {  	s0 =	simm.s32 @!p0 $0x2  }
0x61: {  	_ =	swait.ge @!p0 [sflag:s0], s1  }
0x62: {  	s1 =	ssub.s32 @!p0 $0x0, s1;
	[sflag:s0] =	ssyncset.done @!p0 $0x0  }
0x63: {  	[sflag:s0] =	ssyncadd.s32 @!p0 s1  }
0x64: {  	[bflag:$0x3] =	sbarrier.arrive $0xFFFF  }
0x65: {  	_ =	shalt  }

</sc_bundles>
